<compile_context>
chip_gen: v7x
topology: tpu7x:2x2x1
jax: 0.10.2.dev20260603
libtpu: 0.0.44.dev20260713+nightly
codegen_flags: <defaults>
</compile_context>

<pallas_src>
import functools

import jax
import jax.numpy as jnp
import numpy as np
from jax import lax
from jax.experimental import pallas as pl
from jax.experimental.pallas import tpu as pltpu
from jax.experimental.pallas import tpu_sc as plsc

F = 26
E = 32
B = 4096
H0, H1, H2 = 256, 128, 64
V = 100000
RING = 28
ND = 14
KPAD = RING * E



def _pair_perm():
    def pair_index(a, b):
        return a * (2 * F - a - 1) // 2 + (b - a - 1)

    pid = np.zeros((ND, RING), dtype=np.int32)
    scale = np.zeros((ND, RING), dtype=np.float32)
    for d in range(1, ND + 1):
        for f in range(RING):
            i, j = f, (f + d) % RING
            if i < F and j < F and i != j:
                pid[d - 1, f] = pair_index(min(i, j), max(i, j))
                scale[d - 1, f] = 0.5 if d == ND else 1.0
    return pid.reshape(-1), scale.reshape(-1)


_PID, _SCALE = _pair_perm()


_NW = 32
NEL = B * KPAD
_EPW = NEL // _NW
_CHK = 4
_CSZ = _EPW // _CHK


def _sc_gather_body(idx_hbm, tab_hbm, out_hbm,
                    idx_v0, idx_v1, dst_v0, dst_v1, semg, semo):
    wid = lax.axis_index("s") * 2 + lax.axis_index("c")
    base = wid * _EPW
    idx_b = (idx_v0, idx_v1)
    dst_b = (dst_v0, dst_v1)
    pltpu.sync_copy(idx_hbm.at[pl.ds(base, _CSZ)], idx_v0)
    pltpu.async_copy(tab_hbm.at[idx_v0], dst_v0, semg)
    pltpu.sync_copy(idx_hbm.at[pl.ds(base + _CSZ, _CSZ)], idx_v1)
    for c in range(_CHK):
        ib, db = idx_b[c % 2], dst_b[c % 2]
        pltpu.make_async_copy(tab_hbm.at[ib], db, semg).wait()
        if c + 1 < _CHK:
            nib, ndb = idx_b[(c + 1) % 2], dst_b[(c + 1) % 2]
            if c >= 1:
                pltpu.make_async_copy(
                    ndb, out_hbm.at[pl.ds(base + (c - 1) * _CSZ, _CSZ)],
                    semo).wait()
            pltpu.async_copy(tab_hbm.at[nib], ndb, semg)
            if c + 2 < _CHK:
                pltpu.sync_copy(idx_hbm.at[pl.ds(base + (c + 2) * _CSZ, _CSZ)],
                                ib)
        pltpu.async_copy(db, out_hbm.at[pl.ds(base + c * _CSZ, _CSZ)], semo)
    for c in (_CHK - 2, _CHK - 1):
        pltpu.make_async_copy(dst_b[c % 2],
                              out_hbm.at[pl.ds(base + c * _CSZ, _CSZ)],
                              semo).wait()


def _sc_gather(elem_idx, tab_flat):
    mesh = plsc.VectorSubcoreMesh(core_axis_name="c", subcore_axis_name="s")
    k = pl.kernel(
        _sc_gather_body,
        mesh=mesh,
        compiler_params=pltpu.CompilerParams(use_tc_tiling_on_sc=False),
        out_type=jax.ShapeDtypeStruct((NEL,), jnp.float32),
        scratch_types=[
            pltpu.VMEM((_CSZ,), jnp.int32),
            pltpu.VMEM((_CSZ,), jnp.int32),
            pltpu.VMEM((_CSZ,), jnp.float32),
            pltpu.VMEM((_CSZ,), jnp.float32),
            pltpu.SemaphoreType.DMA,
            pltpu.SemaphoreType.DMA,
        ],
    )
    return k(elem_idx, tab_flat)



_BT = 256
_GRID = B // _BT


def _tc_body(e_ref, wbig_ref, lb_ref, w1_ref, b1_ref, w2_ref, b2_ref,
             wf_ref, bf_ref, out_ref):
    ep = e_ref[...]
    acc = jnp.dot(ep, wbig_ref[0:KPAD, :], preferred_element_type=jnp.float32)
    for d in range(1, ND + 1):
        s = E * d
        rot = jnp.concatenate([ep[:, s:], ep[:, :s]], axis=1)
        acc += jnp.dot(ep * rot, wbig_ref[d * KPAD:(d + 1) * KPAD, :],
                       preferred_element_type=jnp.float32)
    x = jnp.maximum(acc + lb_ref[...], 0.0)
    x = jnp.maximum(jnp.dot(x, w1_ref[...],
                            preferred_element_type=jnp.float32) + b1_ref[...], 0.0)
    x = jnp.maximum(jnp.dot(x, w2_ref[...],
                            preferred_element_type=jnp.float32) + b2_ref[...], 0.0)
    z = jnp.dot(x, wf_ref[...], preferred_element_type=jnp.float32) + bf_ref[...]
    out_ref[...] = 1.0 / (1.0 + jnp.exp(-z))


def _prep_wbig(w_z, w_p):
    wz = w_z.reshape(F * E, H0)
    wz = jnp.concatenate([wz, jnp.zeros((KPAD - F * E, H0), jnp.float32)], axis=0)
    wp = jnp.take(w_p, jnp.asarray(_PID), axis=0)
    wp = wp * jnp.asarray(_SCALE)[:, None, None]
    return jnp.concatenate([wz, wp.reshape(ND * KPAD, H0)], axis=0)


def _tc_call(e2, w_big, l_b, W1, b1, W2, b2, Wf, bf):
    const = lambda i: (0, 0)
    return pl.pallas_call(
        _tc_body,
        grid=(_GRID,),
        in_specs=[
            pl.BlockSpec((_BT, KPAD), lambda i: (i, 0)),
            pl.BlockSpec(((ND + 1) * KPAD, H0), const),
            pl.BlockSpec((1, H0), const),
            pl.BlockSpec((H0, H1), const),
            pl.BlockSpec((1, H1), const),
            pl.BlockSpec((H1, H2), const),
            pl.BlockSpec((1, H2), const),
            pl.BlockSpec((H2, 1), const),
            pl.BlockSpec((1, 1), const),
        ],
        out_specs=pl.BlockSpec((_BT, 1), lambda i: (i, 0)),
        out_shape=jax.ShapeDtypeStruct((B, 1), jnp.float32),
    )(e2, w_big, l_b.reshape(1, H0), W1, b1.reshape(1, H1),
      W2, b2.reshape(1, H2), Wf, bf.reshape(1, 1))


def kernel(indices, tables, w_z, w_p, l_b, W1, b1, W2, b2, Wf, bf):
    tab_flat = tables.transpose(0, 2, 1).reshape(-1)
    idx_pad = jnp.concatenate([indices, indices[:, :2]], axis=1)
    foff = jnp.concatenate([jnp.arange(F, dtype=jnp.int32),
                            jnp.arange(2, dtype=jnp.int32)]) * (E * V)
    toff = jnp.arange(E, dtype=jnp.int32) * V
    elem_idx = (idx_pad[:, :, None] + foff[None, :, None]
                + toff[None, None, :]).reshape(NEL)
    e_flat = _sc_gather(elem_idx, tab_flat)
    e2 = e_flat.reshape(B, KPAD)
    w_big = _prep_wbig(w_z, w_p)
    return _tc_call(e2, w_big, l_b, W1, b1, W2, b2, Wf, bf)

# --- scband reference (transcript-rebuilt; emitter-appended) ---
"""Pipeline reference for scband-pnn-20864951124089 (READ-ONLY COPY).

The authoritative reference and input builder live on the scoring server;
editing this copy changes nothing except your own understanding.
"""

import jax, jax.numpy as jnp
import numpy as np

FIELD_NUM = 26
VOCAB = 100000
EMBED = 32
BATCH = 4096
H = [256, 128, 64]


def setup_inputs(seed: int = 0) -> dict:
    key = jax.random.key(seed)
    ks = jax.random.split(key, 10)
    indices = jax.random.randint(ks[0], (BATCH, FIELD_NUM), 0, VOCAB, dtype=jnp.int32)
    tables = 0.05 * jax.random.normal(ks[1], (FIELD_NUM, VOCAB, EMBED), dtype=jnp.float32)
    n_pairs = FIELD_NUM * (FIELD_NUM - 1) // 2
    w_z = 0.05 * jax.random.normal(ks[2], (FIELD_NUM, EMBED, H[0]), dtype=jnp.float32)
    w_p = 0.05 * jax.random.normal(ks[3], (n_pairs, EMBED, H[0]), dtype=jnp.float32)
    l_b = 0.05 * jax.random.normal(ks[4], (H[0],), dtype=jnp.float32)
    W1 = 0.05 * jax.random.normal(ks[5], (H[0], H[1]), dtype=jnp.float32)
    b1 = jnp.zeros((H[1],), dtype=jnp.float32)
    W2 = 0.05 * jax.random.normal(ks[6], (H[1], H[2]), dtype=jnp.float32)
    b2 = jnp.zeros((H[2],), dtype=jnp.float32)
    Wf = 0.05 * jax.random.normal(ks[7], (H[2], 1), dtype=jnp.float32)
    bf = jnp.zeros((1,), dtype=jnp.float32)
    return {"indices": indices, "tables": tables, "w_z": w_z, "w_p": w_p, "l_b": l_b,
            "W1": W1, "b1": b1, "W2": W2, "b2": b2, "Wf": Wf, "bf": bf}


def _pair_indices(n):
    row, col = [], []
    for i in range(n - 1):
        for j in range(i + 1, n):
            row.append(i)
            col.append(j)
    return np.asarray(row, dtype=np.int32), np.asarray(col, dtype=np.int32)


def reference(indices, tables, w_z, w_p, l_b, W1, b1, W2, b2, Wf, bf):
    # per-field embedding lookup: e[b, f, :] = tables[f, indices[b, f], :]
    e = jax.vmap(lambda t, idx: jnp.take(t, idx, axis=0), in_axes=(0, 1), out_axes=1)(tables, indices)
    row, col = _pair_indices(FIELD_NUM)
    p = jnp.take(e, row, axis=1)  # [B, n_pairs, EMBED]
    q = jnp.take(e, col, axis=1)  # [B, n_pairs, EMBED]
    # IPNN: inner product interactions projected by w_p
    l_p = jnp.tensordot(p * q, w_p, axes=2)  # [B, H0]
    l_z = jnp.tensordot(e, w_z, axes=2)      # [B, H0]
    l1 = jax.nn.relu(l_z + l_p + l_b)
    h = jax.nn.relu(l1 @ W1 + b1)
    h = jax.nn.relu(h @ W2 + b2)
    out = jax.nn.sigmoid(h @ Wf + bf)
    return out

if __name__ == "__main__":
    import jax
    _d = setup_inputs()
    print(jax.jit(kernel)(*tuple(_d.values())))

</pallas_src>

<mosaic_0001>
#map = affine_map<(d0, d1) -> (0)>
module attributes {stable_mosaic.version = 14 : i64} {
  func.func @_sc_gather_body(%arg0: i32, %arg1: i32, %arg2: memref<3670016xi32, #tpu.memory_space<hbm>>, %arg3: memref<83200000xf32, #tpu.memory_space<hbm>>, %arg4: memref<3670016xf32, #tpu.memory_space<hbm>>, %arg5: memref<28672xi32, #tpu.memory_space<vmem>>, %arg6: memref<28672xi32, #tpu.memory_space<vmem>>, %arg7: memref<28672xf32, #tpu.memory_space<vmem>>, %arg8: memref<28672xf32, #tpu.memory_space<vmem>>, %arg9: memref<!tpu.dma_semaphore, #tpu.memory_space<semaphore_mem>>, %arg10: memref<!tpu.dma_semaphore, #tpu.memory_space<semaphore_mem>>) attributes {dimension_semantics = [#tpu.dimension_semantics<core_parallel>, #tpu.dimension_semantics<subcore_parallel>], iteration_bounds = array<i64: 2, 16>, scalar_prefetch = 0 : i64, scratch_operands = 6 : i64, tpu.core_type = #tpu.core_type<sc_vector_subcore>, window_params = [{transform_indices = #map}, {transform_indices = #map}, {transform_indices = #map}]} {
    %mul3A = arith.constant 2 : i32
    %mul3A_0 = arith.muli %arg1, %mul3A : i32
    %add3A = arith.addi %mul3A_0, %arg0 : i32
    %mul3A_1 = arith.constant 114688 : i32
    %mul3A_2 = arith.muli %add3A, %mul3A_1 : i32
    "tpu.region"() ({
      %run_scoped3A = tpu.sem_alloc : memref<!tpu.dma_semaphore, #tpu.memory_space<semaphore_mem>>
      %dma_start3A_55 = tpu.memref_slice %arg2[%mul3A_2] : memref<3670016xi32, #tpu.memory_space<hbm>> -> memref<28672xi32, #tpu.memory_space<hbm>>
      %dma_start3A_56 = tpu.memref_slice %arg2[%mul3A_2] : memref<3670016xi32, #tpu.memory_space<hbm>> -> memref<28672xi32, #tpu.memory_space<hbm>>
      tpu.enqueue_dma source(%dma_start3A_56 : memref<28672xi32, #tpu.memory_space<hbm>>) target(%arg5 : memref<28672xi32, #tpu.memory_space<vmem>>) target_semaphore(%run_scoped3A : memref<!tpu.dma_semaphore, #tpu.memory_space<semaphore_mem>>)
      %dma_wait3A_57 = tpu.memref_slice %arg2[%mul3A_2] : memref<3670016xi32, #tpu.memory_space<hbm>> -> memref<28672xi32, #tpu.memory_space<hbm>>
      %dma_wait3A_58 = tpu.memref_slice %arg2[%mul3A_2] : memref<3670016xi32, #tpu.memory_space<hbm>> -> memref<28672xi32, #tpu.memory_space<hbm>>
      tpu.wait_dma2 semaphore(%run_scoped3A : memref<!tpu.dma_semaphore, #tpu.memory_space<semaphore_mem>>) src(%dma_wait3A_58 : memref<28672xi32, #tpu.memory_space<hbm>>) dst(%arg5 : memref<28672xi32, #tpu.memory_space<vmem>>)
      tpu.yield
    }) : () -> ()
    %dma_start3A = arith.constant 0 : i32
    %dma_start3A_3 = tpu.memref_slice %arg3[%dma_start3A] : memref<83200000xf32, #tpu.memory_space<hbm>> -> memref<83200000xf32, #tpu.memory_space<hbm>>
    tpu.enqueue_indirect_dma source(%dma_start3A_3 : memref<83200000xf32, #tpu.memory_space<hbm>>) target(%arg7 : memref<28672xf32, #tpu.memory_space<vmem>>) offsets(%arg5 : memref<28672xi32, #tpu.memory_space<vmem>>) semaphore(%arg9 : memref<!tpu.dma_semaphore, #tpu.memory_space<semaphore_mem>>)
    %add3A_4 = arith.constant 28672 : i32
    %add3A_5 = arith.addi %mul3A_2, %add3A_4 : i32
    "tpu.region"() ({
      %run_scoped3A = tpu.sem_alloc : memref<!tpu.dma_semaphore, #tpu.memory_space<semaphore_mem>>
      %dma_start3A_55 = tpu.memref_slice %arg2[%add3A_5] : memref<3670016xi32, #tpu.memory_space<hbm>> -> memref<28672xi32, #tpu.memory_space<hbm>>
      %dma_start3A_56 = tpu.memref_slice %arg2[%add3A_5] : memref<3670016xi32, #tpu.memory_space<hbm>> -> memref<28672xi32, #tpu.memory_space<hbm>>
      tpu.enqueue_dma source(%dma_start3A_56 : memref<28672xi32, #tpu.memory_space<hbm>>) target(%arg6 : memref<28672xi32, #tpu.memory_space<vmem>>) target_semaphore(%run_scoped3A : memref<!tpu.dma_semaphore, #tpu.memory_space<semaphore_mem>>)
      %dma_wait3A_57 = tpu.memref_slice %arg2[%add3A_5] : memref<3670016xi32, #tpu.memory_space<hbm>> -> memref<28672xi32, #tpu.memory_space<hbm>>
      %dma_wait3A_58 = tpu.memref_slice %arg2[%add3A_5] : memref<3670016xi32, #tpu.memory_space<hbm>> -> memref<28672xi32, #tpu.memory_space<hbm>>
      tpu.wait_dma2 semaphore(%run_scoped3A : memref<!tpu.dma_semaphore, #tpu.memory_space<semaphore_mem>>) src(%dma_wait3A_58 : memref<28672xi32, #tpu.memory_space<hbm>>) dst(%arg6 : memref<28672xi32, #tpu.memory_space<vmem>>)
      tpu.yield
    }) : () -> ()
    %dma_wait3A = arith.constant 0 : i32
    %dma_wait3A_6 = tpu.memref_slice %arg3[%dma_wait3A] : memref<83200000xf32, #tpu.memory_space<hbm>> -> memref<83200000xf32, #tpu.memory_space<hbm>>
    tpu.wait_indirect_dma semaphore(%arg9 : memref<!tpu.dma_semaphore, #tpu.memory_space<semaphore_mem>>) src(%dma_wait3A_6 : memref<83200000xf32, #tpu.memory_space<hbm>>) dst(%arg7 : memref<28672xf32, #tpu.memory_space<vmem>>)
    %dma_start3A_7 = arith.constant 0 : i32
    %dma_start3A_8 = tpu.memref_slice %arg3[%dma_start3A_7] : memref<83200000xf32, #tpu.memory_space<hbm>> -> memref<83200000xf32, #tpu.memory_space<hbm>>
    tpu.enqueue_indirect_dma source(%dma_start3A_8 : memref<83200000xf32, #tpu.memory_space<hbm>>) target(%arg8 : memref<28672xf32, #tpu.memory_space<vmem>>) offsets(%arg6 : memref<28672xi32, #tpu.memory_space<vmem>>) semaphore(%arg9 : memref<!tpu.dma_semaphore, #tpu.memory_space<semaphore_mem>>)
    %add3A_9 = arith.constant 57344 : i32
    %add3A_10 = arith.addi %mul3A_2, %add3A_9 : i32
    "tpu.region"() ({
      %run_scoped3A = tpu.sem_alloc : memref<!tpu.dma_semaphore, #tpu.memory_space<semaphore_mem>>
      %dma_start3A_55 = tpu.memref_slice %arg2[%add3A_10] : memref<3670016xi32, #tpu.memory_space<hbm>> -> memref<28672xi32, #tpu.memory_space<hbm>>
      %dma_start3A_56 = tpu.memref_slice %arg2[%add3A_10] : memref<3670016xi32, #tpu.memory_space<hbm>> -> memref<28672xi32, #tpu.memory_space<hbm>>
      tpu.enqueue_dma source(%dma_start3A_56 : memref<28672xi32, #tpu.memory_space<hbm>>) target(%arg5 : memref<28672xi32, #tpu.memory_space<vmem>>) target_semaphore(%run_scoped3A : memref<!tpu.dma_semaphore, #tpu.memory_space<semaphore_mem>>)
      %dma_wait3A_57 = tpu.memref_slice %arg2[%add3A_10] : memref<3670016xi32, #tpu.memory_space<hbm>> -> memref<28672xi32, #tpu.memory_space<hbm>>
      %dma_wait3A_58 = tpu.memref_slice %arg2[%add3A_10] : memref<3670016xi32, #tpu.memory_space<hbm>> -> memref<28672xi32, #tpu.memory_space<hbm>>
      tpu.wait_dma2 semaphore(%run_scoped3A : memref<!tpu.dma_semaphore, #tpu.memory_space<semaphore_mem>>) src(%dma_wait3A_58 : memref<28672xi32, #tpu.memory_space<hbm>>) dst(%arg5 : memref<28672xi32, #tpu.memory_space<vmem>>)
      tpu.yield
    }) : () -> ()
    %add3A_11 = arith.constant 0 : i32
    %add3A_12 = arith.addi %mul3A_2, %add3A_11 : i32
    %dma_start3A_13 = tpu.memref_slice %arg4[%add3A_12] : memref<3670016xf32, #tpu.memory_space<hbm>> -> memref<28672xf32, #tpu.memory_space<hbm>>
    %dma_start3A_14 = tpu.memref_slice %arg4[%add3A_12] : memref<3670016xf32, #tpu.memory_space<hbm>> -> memref<28672xf32, #tpu.memory_space<hbm>>
    tpu.enqueue_dma source(%arg7 : memref<28672xf32, #tpu.memory_space<vmem>>) target(%dma_start3A_14 : memref<28672xf32, #tpu.memory_space<hbm>>) target_semaphore(%arg10 : memref<!tpu.dma_semaphore, #tpu.memory_space<semaphore_mem>>)
    %dma_wait3A_15 = arith.constant 0 : i32
    %dma_wait3A_16 = tpu.memref_slice %arg3[%dma_wait3A_15] : memref<83200000xf32, #tpu.memory_space<hbm>> -> memref<83200000xf32, #tpu.memory_space<hbm>>
    tpu.wait_indirect_dma semaphore(%arg9 : memref<!tpu.dma_semaphore, #tpu.memory_space<semaphore_mem>>) src(%dma_wait3A_16 : memref<83200000xf32, #tpu.memory_space<hbm>>) dst(%arg8 : memref<28672xf32, #tpu.memory_space<vmem>>)
    %add3A_17 = arith.constant 0 : i32
    %add3A_18 = arith.addi %mul3A_2, %add3A_17 : i32
    %dma_wait3A_19 = tpu.memref_slice %arg4[%add3A_18] : memref<3670016xf32, #tpu.memory_space<hbm>> -> memref<28672xf32, #tpu.memory_space<hbm>>
    %dma_wait3A_20 = tpu.memref_slice %arg4[%add3A_18] : memref<3670016xf32, #tpu.memory_space<hbm>> -> memref<28672xf32, #tpu.memory_space<hbm>>
    tpu.wait_dma2 semaphore(%arg10 : memref<!tpu.dma_semaphore, #tpu.memory_space<semaphore_mem>>) src(%arg7 : memref<28672xf32, #tpu.memory_space<vmem>>) dst(%dma_wait3A_20 : memref<28672xf32, #tpu.memory_space<hbm>>)
    %dma_start3A_21 = arith.constant 0 : i32
    %dma_start3A_22 = tpu.memref_slice %arg3[%dma_start3A_21] : memref<83200000xf32, #tpu.memory_space<hbm>> -> memref<83200000xf32, #tpu.memory_space<hbm>>
    tpu.enqueue_indirect_dma source(%dma_start3A_22 : memref<83200000xf32, #tpu.memory_space<hbm>>) target(%arg7 : memref<28672xf32, #tpu.memory_space<vmem>>) offsets(%arg5 : memref<28672xi32, #tpu.memory_space<vmem>>) semaphore(%arg9 : memref<!tpu.dma_semaphore, #tpu.memory_space<semaphore_mem>>)
    %add3A_23 = arith.constant 86016 : i32
    %add3A_24 = arith.addi %mul3A_2, %add3A_23 : i32
    "tpu.region"() ({
      %run_scoped3A = tpu.sem_alloc : memref<!tpu.dma_semaphore, #tpu.memory_space<semaphore_mem>>
      %dma_start3A_55 = tpu.memref_slice %arg2[%add3A_24] : memref<3670016xi32, #tpu.memory_space<hbm>> -> memref<28672xi32, #tpu.memory_space<hbm>>
      %dma_start3A_56 = tpu.memref_slice %arg2[%add3A_24] : memref<3670016xi32, #tpu.memory_space<hbm>> -> memref<28672xi32, #tpu.memory_space<hbm>>
      tpu.enqueue_dma source(%dma_start3A_56 : memref<28672xi32, #tpu.memory_space<hbm>>) target(%arg6 : memref<28672xi32, #tpu.memory_space<vmem>>) target_semaphore(%run_scoped3A : memref<!tpu.dma_semaphore, #tpu.memory_space<semaphore_mem>>)
      %dma_wait3A_57 = tpu.memref_slice %arg2[%add3A_24] : memref<3670016xi32, #tpu.memory_space<hbm>> -> memref<28672xi32, #tpu.memory_space<hbm>>
      %dma_wait3A_58 = tpu.memref_slice %arg2[%add3A_24] : memref<3670016xi32, #tpu.memory_space<hbm>> -> memref<28672xi32, #tpu.memory_space<hbm>>
      tpu.wait_dma2 semaphore(%run_scoped3A : memref<!tpu.dma_semaphore, #tpu.memory_space<semaphore_mem>>) src(%dma_wait3A_58 : memref<28672xi32, #tpu.memory_space<hbm>>) dst(%arg6 : memref<28672xi32, #tpu.memory_space<vmem>>)
      tpu.yield
    }) : () -> ()
    %add3A_25 = arith.constant 28672 : i32
    %add3A_26 = arith.addi %mul3A_2, %add3A_25 : i32
    %dma_start3A_27 = tpu.memref_slice %arg4[%add3A_26] : memref<3670016xf32, #tpu.memory_space<hbm>> -> memref<28672xf32, #tpu.memory_space<hbm>>
    %dma_start3A_28 = tpu.memref_slice %arg4[%add3A_26] : memref<3670016xf32, #tpu.memory_space<hbm>> -> memref<28672xf32, #tpu.memory_space<hbm>>
    tpu.enqueue_dma source(%arg8 : memref<28672xf32, #tpu.memory_space<vmem>>) target(%dma_start3A_28 : memref<28672xf32, #tpu.memory_space<hbm>>) target_semaphore(%arg10 : memref<!tpu.dma_semaphore, #tpu.memory_space<semaphore_mem>>)
    %dma_wait3A_29 = arith.constant 0 : i32
    %dma_wait3A_30 = tpu.memref_slice %arg3[%dma_wait3A_29] : memref<83200000xf32, #tpu.memory_space<hbm>> -> memref<83200000xf32, #tpu.memory_space<hbm>>
    tpu.wait_indirect_dma semaphore(%arg9 : memref<!tpu.dma_semaphore, #tpu.memory_space<semaphore_mem>>) src(%dma_wait3A_30 : memref<83200000xf32, #tpu.memory_space<hbm>>) dst(%arg7 : memref<28672xf32, #tpu.memory_space<vmem>>)
    %add3A_31 = arith.constant 28672 : i32
    %add3A_32 = arith.addi %mul3A_2, %add3A_31 : i32
    %dma_wait3A_33 = tpu.memref_slice %arg4[%add3A_32] : memref<3670016xf32, #tpu.memory_space<hbm>> -> memref<28672xf32, #tpu.memory_space<hbm>>
    %dma_wait3A_34 = tpu.memref_slice %arg4[%add3A_32] : memref<3670016xf32, #tpu.memory_space<hbm>> -> memref<28672xf32, #tpu.memory_space<hbm>>
    tpu.wait_dma2 semaphore(%arg10 : memref<!tpu.dma_semaphore, #tpu.memory_space<semaphore_mem>>) src(%arg8 : memref<28672xf32, #tpu.memory_space<vmem>>) dst(%dma_wait3A_34 : memref<28672xf32, #tpu.memory_space<hbm>>)
    %dma_start3A_35 = arith.constant 0 : i32
    %dma_start3A_36 = tpu.memref_slice %arg3[%dma_start3A_35] : memref<83200000xf32, #tpu.memory_space<hbm>> -> memref<83200000xf32, #tpu.memory_space<hbm>>
    tpu.enqueue_indirect_dma source(%dma_start3A_36 : memref<83200000xf32, #tpu.memory_space<hbm>>) target(%arg8 : memref<28672xf32, #tpu.memory_space<vmem>>) offsets(%arg6 : memref<28672xi32, #tpu.memory_space<vmem>>) semaphore(%arg9 : memref<!tpu.dma_semaphore, #tpu.memory_space<semaphore_mem>>)
    %add3A_37 = arith.constant 57344 : i32
    %add3A_38 = arith.addi %mul3A_2, %add3A_37 : i32
    %dma_start3A_39 = tpu.memref_slice %arg4[%add3A_38] : memref<3670016xf32, #tpu.memory_space<hbm>> -> memref<28672xf32, #tpu.memory_space<hbm>>
    %dma_start3A_40 = tpu.memref_slice %arg4[%add3A_38] : memref<3670016xf32, #tpu.memory_space<hbm>> -> memref<28672xf32, #tpu.memory_space<hbm>>
    tpu.enqueue_dma source(%arg7 : memref<28672xf32, #tpu.memory_space<vmem>>) target(%dma_start3A_40 : memref<28672xf32, #tpu.memory_space<hbm>>) target_semaphore(%arg10 : memref<!tpu.dma_semaphore, #tpu.memory_space<semaphore_mem>>)
    %dma_wait3A_41 = arith.constant 0 : i32
    %dma_wait3A_42 = tpu.memref_slice %arg3[%dma_wait3A_41] : memref<83200000xf32, #tpu.memory_space<hbm>> -> memref<83200000xf32, #tpu.memory_space<hbm>>
    tpu.wait_indirect_dma semaphore(%arg9 : memref<!tpu.dma_semaphore, #tpu.memory_space<semaphore_mem>>) src(%dma_wait3A_42 : memref<83200000xf32, #tpu.memory_space<hbm>>) dst(%arg8 : memref<28672xf32, #tpu.memory_space<vmem>>)
    %add3A_43 = arith.constant 86016 : i32
    %add3A_44 = arith.addi %mul3A_2, %add3A_43 : i32
    %dma_start3A_45 = tpu.memref_slice %arg4[%add3A_44] : memref<3670016xf32, #tpu.memory_space<hbm>> -> memref<28672xf32, #tpu.memory_space<hbm>>
    %dma_start3A_46 = tpu.memref_slice %arg4[%add3A_44] : memref<3670016xf32, #tpu.memory_space<hbm>> -> memref<28672xf32, #tpu.memory_space<hbm>>
    tpu.enqueue_dma source(%arg8 : memref<28672xf32, #tpu.memory_space<vmem>>) target(%dma_start3A_46 : memref<28672xf32, #tpu.memory_space<hbm>>) target_semaphore(%arg10 : memref<!tpu.dma_semaphore, #tpu.memory_space<semaphore_mem>>)
    %add3A_47 = arith.constant 57344 : i32
    %add3A_48 = arith.addi %mul3A_2, %add3A_47 : i32
    %dma_wait3A_49 = tpu.memref_slice %arg4[%add3A_48] : memref<3670016xf32, #tpu.memory_space<hbm>> -> memref<28672xf32, #tpu.memory_space<hbm>>
    %dma_wait3A_50 = tpu.memref_slice %arg4[%add3A_48] : memref<3670016xf32, #tpu.memory_space<hbm>> -> memref<28672xf32, #tpu.memory_space<hbm>>
    tpu.wait_dma2 semaphore(%arg10 : memref<!tpu.dma_semaphore, #tpu.memory_space<semaphore_mem>>) src(%arg7 : memref<28672xf32, #tpu.memory_space<vmem>>) dst(%dma_wait3A_50 : memref<28672xf32, #tpu.memory_space<hbm>>)
    %add3A_51 = arith.constant 86016 : i32
    %add3A_52 = arith.addi %mul3A_2, %add3A_51 : i32
    %dma_wait3A_53 = tpu.memref_slice %arg4[%add3A_52] : memref<3670016xf32, #tpu.memory_space<hbm>> -> memref<28672xf32, #tpu.memory_space<hbm>>
    %dma_wait3A_54 = tpu.memref_slice %arg4[%add3A_52] : memref<3670016xf32, #tpu.memory_space<hbm>> -> memref<28672xf32, #tpu.memory_space<hbm>>
    tpu.wait_dma2 semaphore(%arg10 : memref<!tpu.dma_semaphore, #tpu.memory_space<semaphore_mem>>) src(%arg8 : memref<28672xf32, #tpu.memory_space<vmem>>) dst(%dma_wait3A_54 : memref<28672xf32, #tpu.memory_space<hbm>>)
    return
  }
}

module attributes {stable_mosaic.version = 14 : i64} {
  func.func @_tc_body(%arg0: i32, %arg1: memref<256x896xf32, #tpu.memory_space<vmem>>, %arg2: memref<13440x256xf32, #tpu.memory_space<vmem>>, %arg3: memref<1x256xf32, #tpu.memory_space<vmem>>, %arg4: memref<256x128xf32, #tpu.memory_space<vmem>>, %arg5: memref<1x128xf32, #tpu.memory_space<vmem>>, %arg6: memref<128x64xf32, #tpu.memory_space<vmem>>, %arg7: memref<1x64xf32, #tpu.memory_space<vmem>>, %arg8: memref<64x1xf32, #tpu.memory_space<vmem>>, %arg9: memref<1x1xf32, #tpu.memory_space<vmem>>, %arg10: memref<256x1xf32, #tpu.memory_space<vmem>>) attributes {dimension_semantics = [#tpu.dimension_semantics<arbitrary>], iteration_bounds = array<i64: 16>, scalar_prefetch = 0 : i64, scratch_operands = 0 : i64, tpu.core_type = #tpu.core_type<tc>, window_params = [{transform_indices = @transform_0, window_bounds = array<i64: 256, 896>}, {pipeline_mode = #tpu.pipeline_mode<synchronous>, transform_indices = @transform_1, window_bounds = array<i64: 13440, 256>}, {pipeline_mode = #tpu.pipeline_mode<synchronous>, transform_indices = @transform_2, window_bounds = array<i64: 1, 256>}, {pipeline_mode = #tpu.pipeline_mode<synchronous>, transform_indices = @transform_3, window_bounds = array<i64: 256, 128>}, {pipeline_mode = #tpu.pipeline_mode<synchronous>, transform_indices = @transform_4, window_bounds = array<i64: 1, 128>}, {pipeline_mode = #tpu.pipeline_mode<synchronous>, transform_indices = @transform_5, window_bounds = array<i64: 128, 64>}, {pipeline_mode = #tpu.pipeline_mode<synchronous>, transform_indices = @transform_6, window_bounds = array<i64: 1, 64>}, {pipeline_mode = #tpu.pipeline_mode<synchronous>, transform_indices = @transform_7, window_bounds = array<i64: 64, 1>}, {pipeline_mode = #tpu.pipeline_mode<synchronous>, transform_indices = @transform_8, window_bounds = array<i64: 1, 1>}, {transform_indices = @transform_9, window_bounds = array<i64: 256, 1>}]} {
    %get3A = arith.constant 0 : index
    %get3A_0 = arith.constant 0 : index
    %get3A_1 = vector.load %arg1[%get3A, %get3A_0] : memref<256x896xf32, #tpu.memory_space<vmem>>, vector<256x896xf32>
    %get3A_2 = arith.constant 0 : index
    %get3A_3 = arith.constant 0 : index
    %get3A_4 = vector.load %arg2[%get3A_2, %get3A_3] : memref<13440x256xf32, #tpu.memory_space<vmem>>, vector<896x256xf32>
    %dot_general3A = arith.constant dense<0.000000e+00> : vector<256x256xf32>
    %dot_general3A_5 = tpu.matmul %get3A_1, %get3A_4, %dot_general3A {dimension_numbers = #tpu.dot_dimension_numbers<[1], [0], [0], [1], [0, 0, 1, 1], [], []>, transpose_lhs_hint = false} : vector<256x896xf32>, vector<896x256xf32>, vector<256x256xf32> -> vector<256x256xf32>
    %slice3A = vector.extract_strided_slice %get3A_1 {offsets = [0, 32], sizes = [256, 864], strides = [1, 1]} : vector<256x896xf32> to vector<256x864xf32>
    %slice3A_6 = vector.extract_strided_slice %get3A_1 {offsets = [0, 0], sizes = [256, 32], strides = [1, 1]} : vector<256x896xf32> to vector<256x32xf32>
    %concatenate3A = tpu.concatenate %slice3A, %slice3A_6 in 1 : vector<256x864xf32>, vector<256x32xf32> -> vector<256x896xf32>
    %mul3A = arith.mulf %get3A_1, %concatenate3A : vector<256x896xf32>
    %get3A_7 = arith.constant 896 : index
    %get3A_8 = arith.constant 0 : index
    %get3A_9 = vector.load %arg2[%get3A_7, %get3A_8] : memref<13440x256xf32, #tpu.memory_space<vmem>>, vector<896x256xf32>
    %dot_general3A_10 = arith.constant dense<0.000000e+00> : vector<256x256xf32>
    %dot_general3A_11 = tpu.matmul %mul3A, %get3A_9, %dot_general3A_10 {dimension_numbers = #tpu.dot_dimension_numbers<[1], [0], [0], [1], [0, 0, 1, 1], [], []>, transpose_lhs_hint = false} : vector<256x896xf32>, vector<896x256xf32>, vector<256x256xf32> -> vector<256x256xf32>
    %add3A = arith.addf %dot_general3A_5, %dot_general3A_11 : vector<256x256xf32>
    %slice3A_12 = vector.extract_strided_slice %get3A_1 {offsets = [0, 64], sizes = [256, 832], strides = [1, 1]} : vector<256x896xf32> to vector<256x832xf32>
    %slice3A_13 = vector.extract_strided_slice %get3A_1 {offsets = [0, 0], sizes = [256, 64], strides = [1, 1]} : vector<256x896xf32> to vector<256x64xf32>
    %concatenate3A_14 = tpu.concatenate %slice3A_12, %slice3A_13 in 1 : vector<256x832xf32>, vector<256x64xf32> -> vector<256x896xf32>
    %mul3A_15 = arith.mulf %get3A_1, %concatenate3A_14 : vector<256x896xf32>
    %get3A_16 = arith.constant 1792 : index
    %get3A_17 = arith.constant 0 : index
    %get3A_18 = vector.load %arg2[%get3A_16, %get3A_17] : memref<13440x256xf32, #tpu.memory_space<vmem>>, vector<896x256xf32>
    %dot_general3A_19 = arith.constant dense<0.000000e+00> : vector<256x256xf32>
    %dot_general3A_20 = tpu.matmul %mul3A_15, %get3A_18, %dot_general3A_19 {dimension_numbers = #tpu.dot_dimension_numbers<[1], [0], [0], [1], [0, 0, 1, 1], [], []>, transpose_lhs_hint = false} : vector<256x896xf32>, vector<896x256xf32>, vector<256x256xf32> -> vector<256x256xf32>
    %add3A_21 = arith.addf %add3A, %dot_general3A_20 : vector<256x256xf32>
    %slice3A_22 = vector.extract_strided_slice %get3A_1 {offsets = [0, 96], sizes = [256, 800], strides = [1, 1]} : vector<256x896xf32> to vector<256x800xf32>
    %slice3A_23 = vector.extract_strided_slice %get3A_1 {offsets = [0, 0], sizes = [256, 96], strides = [1, 1]} : vector<256x896xf32> to vector<256x96xf32>
    %concatenate3A_24 = tpu.concatenate %slice3A_22, %slice3A_23 in 1 : vector<256x800xf32>, vector<256x96xf32> -> vector<256x896xf32>
    %mul3A_25 = arith.mulf %get3A_1, %concatenate3A_24 : vector<256x896xf32>
    %get3A_26 = arith.constant 2688 : index
    %get3A_27 = arith.constant 0 : index
    %get3A_28 = vector.load %arg2[%get3A_26, %get3A_27] : memref<13440x256xf32, #tpu.memory_space<vmem>>, vector<896x256xf32>
    %dot_general3A_29 = arith.constant dense<0.000000e+00> : vector<256x256xf32>
    %dot_general3A_30 = tpu.matmul %mul3A_25, %get3A_28, %dot_general3A_29 {dimension_numbers = #tpu.dot_dimension_numbers<[1], [0], [0], [1], [0, 0, 1, 1], [], []>, transpose_lhs_hint = false} : vector<256x896xf32>, vector<896x256xf32>, vector<256x256xf32> -> vector<256x256xf32>
    %add3A_31 = arith.addf %add3A_21, %dot_general3A_30 : vector<256x256xf32>
    %slice3A_32 = vector.extract_strided_slice %get3A_1 {offsets = [0, 128], sizes = [256, 768], strides = [1, 1]} : vector<256x896xf32> to vector<256x768xf32>
    %slice3A_33 = vector.extract_strided_slice %get3A_1 {offsets = [0, 0], sizes = [256, 128], strides = [1, 1]} : vector<256x896xf32> to vector<256x128xf32>
    %concatenate3A_34 = tpu.concatenate %slice3A_32, %slice3A_33 in 1 : vector<256x768xf32>, vector<256x128xf32> -> vector<256x896xf32>
    %mul3A_35 = arith.mulf %get3A_1, %concatenate3A_34 : vector<256x896xf32>
    %get3A_36 = arith.constant 3584 : index
    %get3A_37 = arith.constant 0 : index
    %get3A_38 = vector.load %arg2[%get3A_36, %get3A_37] : memref<13440x256xf32, #tpu.memory_space<vmem>>, vector<896x256xf32>
    %dot_general3A_39 = arith.constant dense<0.000000e+00> : vector<256x256xf32>
    %dot_general3A_40 = tpu.matmul %mul3A_35, %get3A_38, %dot_general3A_39 {dimension_numbers = #tpu.dot_dimension_numbers<[1], [0], [0], [1], [0, 0, 1, 1], [], []>, transpose_lhs_hint = false} : vector<256x896xf32>, vector<896x256xf32>, vector<256x256xf32> -> vector<256x256xf32>
    %add3A_41 = arith.addf %add3A_31, %dot_general3A_40 : vector<256x256xf32>
    %slice3A_42 = vector.extract_strided_slice %get3A_1 {offsets = [0, 160], sizes = [256, 736], strides = [1, 1]} : vector<256x896xf32> to vector<256x736xf32>
    %slice3A_43 = vector.extract_strided_slice %get3A_1 {offsets = [0, 0], sizes = [256, 160], strides = [1, 1]} : vector<256x896xf32> to vector<256x160xf32>
    %concatenate3A_44 = tpu.concatenate %slice3A_42, %slice3A_43 in 1 : vector<256x736xf32>, vector<256x160xf32> -> vector<256x896xf32>
    %mul3A_45 = arith.mulf %get3A_1, %concatenate3A_44 : vector<256x896xf32>
    %get3A_46 = arith.constant 4480 : index
    %get3A_47 = arith.constant 0 : index
    %get3A_48 = vector.load %arg2[%get3A_46, %get3A_47] : memref<13440x256xf32, #tpu.memory_space<vmem>>, vector<896x256xf32>
    %dot_general3A_49 = arith.constant dense<0.000000e+00> : vector<256x256xf32>
    %dot_general3A_50 = tpu.matmul %mul3A_45, %get3A_48, %dot_general3A_49 {dimension_numbers = #tpu.dot_dimension_numbers<[1], [0], [0], [1], [0, 0, 1, 1], [], []>, transpose_lhs_hint = false} : vector<256x896xf32>, vector<896x256xf32>, vector<256x256xf32> -> vector<256x256xf32>
    %add3A_51 = arith.addf %add3A_41, %dot_general3A_50 : vector<256x256xf32>
    %slice3A_52 = vector.extract_strided_slice %get3A_1 {offsets = [0, 192], sizes = [256, 704], strides = [1, 1]} : vector<256x896xf32> to vector<256x704xf32>
    %slice3A_53 = vector.extract_strided_slice %get3A_1 {offsets = [0, 0], sizes = [256, 192], strides = [1, 1]} : vector<256x896xf32> to vector<256x192xf32>
    %concatenate3A_54 = tpu.concatenate %slice3A_52, %slice3A_53 in 1 : vector<256x704xf32>, vector<256x192xf32> -> vector<256x896xf32>
    %mul3A_55 = arith.mulf %get3A_1, %concatenate3A_54 : vector<256x896xf32>
    %get3A_56 = arith.constant 5376 : index
    %get3A_57 = arith.constant 0 : index
    %get3A_58 = vector.load %arg2[%get3A_56, %get3A_57] : memref<13440x256xf32, #tpu.memory_space<vmem>>, vector<896x256xf32>
    %dot_general3A_59 = arith.constant dense<0.000000e+00> : vector<256x256xf32>
    %dot_general3A_60 = tpu.matmul %mul3A_55, %get3A_58, %dot_general3A_59 {dimension_numbers = #tpu.dot_dimension_numbers<[1], [0], [0], [1], [0, 0, 1, 1], [], []>, transpose_lhs_hint = false} : vector<256x896xf32>, vector<896x256xf32>, vector<256x256xf32> -> vector<256x256xf32>
    %add3A_61 = arith.addf %add3A_51, %dot_general3A_60 : vector<256x256xf32>
    %slice3A_62 = vector.extract_strided_slice %get3A_1 {offsets = [0, 224], sizes = [256, 672], strides = [1, 1]} : vector<256x896xf32> to vector<256x672xf32>
    %slice3A_63 = vector.extract_strided_slice %get3A_1 {offsets = [0, 0], sizes = [256, 224], strides = [1, 1]} : vector<256x896xf32> to vector<256x224xf32>
    %concatenate3A_64 = tpu.concatenate %slice3A_62, %slice3A_63 in 1 : vector<256x672xf32>, vector<256x224xf32> -> vector<256x896xf32>
    %mul3A_65 = arith.mulf %get3A_1, %concatenate3A_64 : vector<256x896xf32>
    %get3A_66 = arith.constant 6272 : index
    %get3A_67 = arith.constant 0 : index
    %get3A_68 = vector.load %arg2[%get3A_66, %get3A_67] : memref<13440x256xf32, #tpu.memory_space<vmem>>, vector<896x256xf32>
    %dot_general3A_69 = arith.constant dense<0.000000e+00> : vector<256x256xf32>
    %dot_general3A_70 = tpu.matmul %mul3A_65, %get3A_68, %dot_general3A_69 {dimension_numbers = #tpu.dot_dimension_numbers<[1], [0], [0], [1], [0, 0, 1, 1], [], []>, transpose_lhs_hint = false} : vector<256x896xf32>, vector<896x256xf32>, vector<256x256xf32> -> vector<256x256xf32>
    %add3A_71 = arith.addf %add3A_61, %dot_general3A_70 : vector<256x256xf32>
    %slice3A_72 = vector.extract_strided_slice %get3A_1 {offsets = [0, 256], sizes = [256, 640], strides = [1, 1]} : vector<256x896xf32> to vector<256x640xf32>
    %slice3A_73 = vector.extract_strided_slice %get3A_1 {offsets = [0, 0], sizes = [256, 256], strides = [1, 1]} : vector<256x896xf32> to vector<256x256xf32>
    %concatenate3A_74 = tpu.concatenate %slice3A_72, %slice3A_73 in 1 : vector<256x640xf32>, vector<256x256xf32> -> vector<256x896xf32>
    %mul3A_75 = arith.mulf %get3A_1, %concatenate3A_74 : vector<256x896xf32>
    %get3A_76 = arith.constant 7168 : index
    %get3A_77 = arith.constant 0 : index
    %get3A_78 = vector.load %arg2[%get3A_76, %get3A_77] : memref<13440x256xf32, #tpu.memory_space<vmem>>, vector<896x256xf32>
    %dot_general3A_79 = arith.constant dense<0.000000e+00> : vector<256x256xf32>
    %dot_general3A_80 = tpu.matmul %mul3A_75, %get3A_78, %dot_general3A_79 {dimension_numbers = #tpu.dot_dimension_numbers<[1], [0], [0], [1], [0, 0, 1, 1], [], []>, transpose_lhs_hint = false} : vector<256x896xf32>, vector<896x256xf32>, vector<256x256xf32> -> vector<256x256xf32>
    %add3A_81 = arith.addf %add3A_71, %dot_general3A_80 : vector<256x256xf32>
    %slice3A_82 = vector.extract_strided_slice %get3A_1 {offsets = [0, 288], sizes = [256, 608], strides = [1, 1]} : vector<256x896xf32> to vector<256x608xf32>
    %slice3A_83 = vector.extract_strided_slice %get3A_1 {offsets = [0, 0], sizes = [256, 288], strides = [1, 1]} : vector<256x896xf32> to vector<256x288xf32>
    %concatenate3A_84 = tpu.concatenate %slice3A_82, %slice3A_83 in 1 : vector<256x608xf32>, vector<256x288xf32> -> vector<256x896xf32>
    %mul3A_85 = arith.mulf %get3A_1, %concatenate3A_84 : vector<256x896xf32>
    %get3A_86 = arith.constant 8064 : index
    %get3A_87 = arith.constant 0 : index
    %get3A_88 = vector.load %arg2[%get3A_86, %get3A_87] : memref<13440x256xf32, #tpu.memory_space<vmem>>, vector<896x256xf32>
    %dot_general3A_89 = arith.constant dense<0.000000e+00> : vector<256x256xf32>
    %dot_general3A_90 = tpu.matmul %mul3A_85, %get3A_88, %dot_general3A_89 {dimension_numbers = #tpu.dot_dimension_numbers<[1], [0], [0], [1], [0, 0, 1, 1], [], []>, transpose_lhs_hint = false} : vector<256x896xf32>, vector<896x256xf32>, vector<256x256xf32> -> vector<256x256xf32>
    %add3A_91 = arith.addf %add3A_81, %dot_general3A_90 : vector<256x256xf32>
    %slice3A_92 = vector.extract_strided_slice %get3A_1 {offsets = [0, 320], sizes = [256, 576], strides = [1, 1]} : vector<256x896xf32> to vector<256x576xf32>
    %slice3A_93 = vector.extract_strided_slice %get3A_1 {offsets = [0, 0], sizes = [256, 320], strides = [1, 1]} : vector<256x896xf32> to vector<256x320xf32>
    %concatenate3A_94 = tpu.concatenate %slice3A_92, %slice3A_93 in 1 : vector<256x576xf32>, vector<256x320xf32> -> vector<256x896xf32>
    %mul3A_95 = arith.mulf %get3A_1, %concatenate3A_94 : vector<256x896xf32>
    %get3A_96 = arith.constant 8960 : index
    %get3A_97 = arith.constant 0 : index
    %get3A_98 = vector.load %arg2[%get3A_96, %get3A_97] : memref<13440x256xf32, #tpu.memory_space<vmem>>, vector<896x256xf32>
    %dot_general3A_99 = arith.constant dense<0.000000e+00> : vector<256x256xf32>
    %dot_general3A_100 = tpu.matmul %mul3A_95, %get3A_98, %dot_general3A_99 {dimension_numbers = #tpu.dot_dimension_numbers<[1], [0], [0], [1], [0, 0, 1, 1], [], []>, transpose_lhs_hint = false} : vector<256x896xf32>, vector<896x256xf32>, vector<256x256xf32> -> vector<256x256xf32>
    %add3A_101 = arith.addf %add3A_91, %dot_general3A_100 : vector<256x256xf32>
    %slice3A_102 = vector.extract_strided_slice %get3A_1 {offsets = [0, 352], sizes = [256, 544], strides = [1, 1]} : vector<256x896xf32> to vector<256x544xf32>
    %slice3A_103 = vector.extract_strided_slice %get3A_1 {offsets = [0, 0], sizes = [256, 352], strides = [1, 1]} : vector<256x896xf32> to vector<256x352xf32>
    %concatenate3A_104 = tpu.concatenate %slice3A_102, %slice3A_103 in 1 : vector<256x544xf32>, vector<256x352xf32> -> vector<256x896xf32>
    %mul3A_105 = arith.mulf %get3A_1, %concatenate3A_104 : vector<256x896xf32>
    %get3A_106 = arith.constant 9856 : index
    %get3A_107 = arith.constant 0 : index
    %get3A_108 = vector.load %arg2[%get3A_106, %get3A_107] : memref<13440x256xf32, #tpu.memory_space<vmem>>, vector<896x256xf32>
    %dot_general3A_109 = arith.constant dense<0.000000e+00> : vector<256x256xf32>
    %dot_general3A_110 = tpu.matmul %mul3A_105, %get3A_108, %dot_general3A_109 {dimension_numbers = #tpu.dot_dimension_numbers<[1], [0], [0], [1], [0, 0, 1, 1], [], []>, transpose_lhs_hint = false} : vector<256x896xf32>, vector<896x256xf32>, vector<256x256xf32> -> vector<256x256xf32>
    %add3A_111 = arith.addf %add3A_101, %dot_general3A_110 : vector<256x256xf32>
    %slice3A_112 = vector.extract_strided_slice %get3A_1 {offsets = [0, 384], sizes = [256, 512], strides = [1, 1]} : vector<256x896xf32> to vector<256x512xf32>
    %slice3A_113 = vector.extract_strided_slice %get3A_1 {offsets = [0, 0], sizes = [256, 384], strides = [1, 1]} : vector<256x896xf32> to vector<256x384xf32>
    %concatenate3A_114 = tpu.concatenate %slice3A_112, %slice3A_113 in 1 : vector<256x512xf32>, vector<256x384xf32> -> vector<256x896xf32>
    %mul3A_115 = arith.mulf %get3A_1, %concatenate3A_114 : vector<256x896xf32>
    %get3A_116 = arith.constant 10752 : index
    %get3A_117 = arith.constant 0 : index
    %get3A_118 = vector.load %arg2[%get3A_116, %get3A_117] : memref<13440x256xf32, #tpu.memory_space<vmem>>, vector<896x256xf32>
    %dot_general3A_119 = arith.constant dense<0.000000e+00> : vector<256x256xf32>
    %dot_general3A_120 = tpu.matmul %mul3A_115, %get3A_118, %dot_general3A_119 {dimension_numbers = #tpu.dot_dimension_numbers<[1], [0], [0], [1], [0, 0, 1, 1], [], []>, transpose_lhs_hint = false} : vector<256x896xf32>, vector<896x256xf32>, vector<256x256xf32> -> vector<256x256xf32>
    %add3A_121 = arith.addf %add3A_111, %dot_general3A_120 : vector<256x256xf32>
    %slice3A_122 = vector.extract_strided_slice %get3A_1 {offsets = [0, 416], sizes = [256, 480], strides = [1, 1]} : vector<256x896xf32> to vector<256x480xf32>
    %slice3A_123 = vector.extract_strided_slice %get3A_1 {offsets = [0, 0], sizes = [256, 416], strides = [1, 1]} : vector<256x896xf32> to vector<256x416xf32>
    %concatenate3A_124 = tpu.concatenate %slice3A_122, %slice3A_123 in 1 : vector<256x480xf32>, vector<256x416xf32> -> vector<256x896xf32>
    %mul3A_125 = arith.mulf %get3A_1, %concatenate3A_124 : vector<256x896xf32>
    %get3A_126 = arith.constant 11648 : index
    %get3A_127 = arith.constant 0 : index
    %get3A_128 = vector.load %arg2[%get3A_126, %get3A_127] : memref<13440x256xf32, #tpu.memory_space<vmem>>, vector<896x256xf32>
    %dot_general3A_129 = arith.constant dense<0.000000e+00> : vector<256x256xf32>
    %dot_general3A_130 = tpu.matmul %mul3A_125, %get3A_128, %dot_general3A_129 {dimension_numbers = #tpu.dot_dimension_numbers<[1], [0], [0], [1], [0, 0, 1, 1], [], []>, transpose_lhs_hint = false} : vector<256x896xf32>, vector<896x256xf32>, vector<256x256xf32> -> vector<256x256xf32>
    %add3A_131 = arith.addf %add3A_121, %dot_general3A_130 : vector<256x256xf32>
    %slice3A_132 = vector.extract_strided_slice %get3A_1 {offsets = [0, 448], sizes = [256, 448], strides = [1, 1]} : vector<256x896xf32> to vector<256x448xf32>
    %slice3A_133 = vector.extract_strided_slice %get3A_1 {offsets = [0, 0], sizes = [256, 448], strides = [1, 1]} : vector<256x896xf32> to vector<256x448xf32>
    %concatenate3A_134 = tpu.concatenate %slice3A_132, %slice3A_133 in 1 : vector<256x448xf32>, vector<256x448xf32> -> vector<256x896xf32>
    %mul3A_135 = arith.mulf %get3A_1, %concatenate3A_134 : vector<256x896xf32>
    %get3A_136 = arith.constant 12544 : index
    %get3A_137 = arith.constant 0 : index
    %get3A_138 = vector.load %arg2[%get3A_136, %get3A_137] : memref<13440x256xf32, #tpu.memory_space<vmem>>, vector<896x256xf32>
    %dot_general3A_139 = arith.constant dense<0.000000e+00> : vector<256x256xf32>
    %dot_general3A_140 = tpu.matmul %mul3A_135, %get3A_138, %dot_general3A_139 {dimension_numbers = #tpu.dot_dimension_numbers<[1], [0], [0], [1], [0, 0, 1, 1], [], []>, transpose_lhs_hint = false} : vector<256x896xf32>, vector<896x256xf32>, vector<256x256xf32> -> vector<256x256xf32>
    %add3A_141 = arith.addf %add3A_131, %dot_general3A_140 : vector<256x256xf32>
    %get3A_142 = arith.constant 0 : index
    %get3A_143 = arith.constant 0 : index
    %get3A_144 = vector.load %arg3[%get3A_142, %get3A_143] : memref<1x256xf32, #tpu.memory_space<vmem>>, vector<1x256xf32>
    %add3A_145 = vector.broadcast %get3A_144 : vector<1x256xf32> to vector<256x256xf32>
    %add3A_146 = arith.addf %add3A_141, %add3A_145 : vector<256x256xf32>
    %max3A = arith.constant 0.000000e+00 : f32
    %max3A_147 = vector.broadcast %max3A : f32 to vector<256x256xf32>
    %max3A_148 = arith.maximumf %add3A_146, %max3A_147 : vector<256x256xf32>
    %get3A_149 = arith.constant 0 : index
    %get3A_150 = arith.constant 0 : index
    %get3A_151 = vector.load %arg4[%get3A_149, %get3A_150] : memref<256x128xf32, #tpu.memory_space<vmem>>, vector<256x128xf32>
    %dot_general3A_152 = arith.constant dense<0.000000e+00> : vector<256x128xf32>
    %dot_general3A_153 = tpu.matmul %max3A_148, %get3A_151, %dot_general3A_152 {dimension_numbers = #tpu.dot_dimension_numbers<[1], [0], [0], [1], [0, 0, 1, 1], [], []>, transpose_lhs_hint = false} : vector<256x256xf32>, vector<256x128xf32>, vector<256x128xf32> -> vector<256x128xf32>
    %get3A_154 = arith.constant 0 : index
    %get3A_155 = arith.constant 0 : index
    %get3A_156 = vector.load %arg5[%get3A_154, %get3A_155] : memref<1x128xf32, #tpu.memory_space<vmem>>, vector<1x128xf32>
    %add3A_157 = vector.broadcast %get3A_156 : vector<1x128xf32> to vector<256x128xf32>
    %add3A_158 = arith.addf %dot_general3A_153, %add3A_157 : vector<256x128xf32>
    %max3A_159 = arith.constant 0.000000e+00 : f32
    %max3A_160 = vector.broadcast %max3A_159 : f32 to vector<256x128xf32>
    %max3A_161 = arith.maximumf %add3A_158, %max3A_160 : vector<256x128xf32>
    %get3A_162 = arith.constant 0 : index
    %get3A_163 = arith.constant 0 : index
    %get3A_164 = vector.load %arg6[%get3A_162, %get3A_163] : memref<128x64xf32, #tpu.memory_space<vmem>>, vector<128x64xf32>
    %dot_general3A_165 = arith.constant dense<0.000000e+00> : vector<256x64xf32>
    %dot_general3A_166 = tpu.matmul %max3A_161, %get3A_164, %dot_general3A_165 {dimension_numbers = #tpu.dot_dimension_numbers<[1], [0], [0], [1], [0, 0, 1, 1], [], []>, transpose_lhs_hint = false} : vector<256x128xf32>, vector<128x64xf32>, vector<256x64xf32> -> vector<256x64xf32>
    %get3A_167 = arith.constant 0 : index
    %get3A_168 = arith.constant 0 : index
    %get3A_169 = vector.load %arg7[%get3A_167, %get3A_168] : memref<1x64xf32, #tpu.memory_space<vmem>>, vector<1x64xf32>
    %add3A_170 = vector.broadcast %get3A_169 : vector<1x64xf32> to vector<256x64xf32>
    %add3A_171 = arith.addf %dot_general3A_166, %add3A_170 : vector<256x64xf32>
    %max3A_172 = arith.constant 0.000000e+00 : f32
    %max3A_173 = vector.broadcast %max3A_172 : f32 to vector<256x64xf32>
    %max3A_174 = arith.maximumf %add3A_171, %max3A_173 : vector<256x64xf32>
    %get3A_175 = arith.constant 0 : index
    %get3A_176 = arith.constant 0 : index
    %get3A_177 = vector.load %arg8[%get3A_175, %get3A_176] : memref<64x1xf32, #tpu.memory_space<vmem>>, vector<64x1xf32>
    %dot_general3A_178 = arith.constant dense<0.000000e+00> : vector<256x1xf32>
    %dot_general3A_179 = tpu.matmul %max3A_174, %get3A_177, %dot_general3A_178 {dimension_numbers = #tpu.dot_dimension_numbers<[1], [0], [0], [1], [0, 0, 1, 1], [], []>, transpose_lhs_hint = false} : vector<256x64xf32>, vector<64x1xf32>, vector<256x1xf32> -> vector<256x1xf32>
    %get3A_180 = arith.constant 0 : index
    %get3A_181 = arith.constant 0 : index
    %get3A_182 = vector.load %arg9[%get3A_180, %get3A_181] : memref<1x1xf32, #tpu.memory_space<vmem>>, vector<1x1xf32>
    %add3A_183 = vector.broadcast %get3A_182 : vector<1x1xf32> to vector<256x1xf32>
    %add3A_184 = arith.addf %dot_general3A_179, %add3A_183 : vector<256x1xf32>
    %neg3A = arith.constant 0.000000e+00 : f32
    %neg3A_185 = vector.broadcast %neg3A : f32 to vector<256x1xf32>
    %neg3A_186 = arith.subf %neg3A_185, %add3A_184 : vector<256x1xf32>
    %exp3A = math.exp %neg3A_186 : vector<256x1xf32>
    %add3A_187 = arith.constant 1.000000e+00 : f32
    %add3A_188 = vector.broadcast %add3A_187 : f32 to vector<256x1xf32>
    %add3A_189 = arith.addf %add3A_188, %exp3A : vector<256x1xf32>
    %div3A = arith.constant 1.000000e+00 : f32
    %div3A_190 = vector.broadcast %div3A : f32 to vector<256x1xf32>
    %div3A_191 = arith.divf %div3A_190, %add3A_189 : vector<256x1xf32>
    %swap3A = arith.constant 0 : index
    %swap3A_192 = arith.constant 0 : index
    %swap3A_193 = vector.load %arg10[%swap3A, %swap3A_192] : memref<256x1xf32, #tpu.memory_space<vmem>>, vector<256x1xf32>
    tpu.vector_store %arg10[%swap3A, %swap3A_192], %div3A_191 {strides = array<i32>} : memref<256x1xf32, #tpu.memory_space<vmem>>, vector<256x1xf32>,
    return
  }
  func.func @transform_0(%arg0: i32) -> (i32, i32) {
    %c0_i32 = arith.constant 0 : i32
    %c0_i32_0 = arith.constant 0 : i32
    return %arg0, %c0_i32 : i32, i32
  }
  func.func @transform_1(%arg0: i32) -> (i32, i32) {
    %c0_i32 = arith.constant 0 : i32
    %c0_i32_0 = arith.constant 0 : i32
    %c0_i32_1 = arith.constant 0 : i32
    return %c0_i32, %c0_i32_0 : i32, i32
  }
  func.func @transform_2(%arg0: i32) -> (i32, i32) {
    %c0_i32 = arith.constant 0 : i32
    %c0_i32_0 = arith.constant 0 : i32
    %c0_i32_1 = arith.constant 0 : i32
    return %c0_i32, %c0_i32_0 : i32, i32
  }
  func.func @transform_3(%arg0: i32) -> (i32, i32) {
    %c0_i32 = arith.constant 0 : i32
    %c0_i32_0 = arith.constant 0 : i32
    %c0_i32_1 = arith.constant 0 : i32
    return %c0_i32, %c0_i32_0 : i32, i32
  }
  func.func @transform_4(%arg0: i32) -> (i32, i32) {
    %c0_i32 = arith.constant 0 : i32
    %c0_i32_0 = arith.constant 0 : i32
    %c0_i32_1 = arith.constant 0 : i32
    return %c0_i32, %c0_i32_0 : i32, i32
  }
  func.func @transform_5(%arg0: i32) -> (i32, i32) {
    %c0_i32 = arith.constant 0 : i32
    %c0_i32_0 = arith.constant 0 : i32
    %c0_i32_1 = arith.constant 0 : i32
    return %c0_i32, %c0_i32_0 : i32, i32
  }
  func.func @transform_6(%arg0: i32) -> (i32, i32) {
    %c0_i32 = arith.constant 0 : i32
    %c0_i32_0 = arith.constant 0 : i32
    %c0_i32_1 = arith.constant 0 : i32
    return %c0_i32, %c0_i32_0 : i32, i32
  }
  func.func @transform_7(%arg0: i32) -> (i32, i32) {
    %c0_i32 = arith.constant 0 : i32
    %c0_i32_0 = arith.constant 0 : i32
    %c0_i32_1 = arith.constant 0 : i32
    return %c0_i32, %c0_i32_0 : i32, i32
  }
  func.func @transform_8(%arg0: i32) -> (i32, i32) {
    %c0_i32 = arith.constant 0 : i32
    %c0_i32_0 = arith.constant 0 : i32
    %c0_i32_1 = arith.constant 0 : i32
    return %c0_i32, %c0_i32_0 : i32, i32
  }
  func.func @transform_9(%arg0: i32) -> (i32, i32) {
    %c0_i32 = arith.constant 0 : i32
    %c0_i32_0 = arith.constant 0 : i32
    return %arg0, %c0_i32 : i32, i32
  }
}

</mosaic_0001>

<sc_bundles>
// kernel: kernel.4.cloned.1.call-start
scs
__scs_entry_jumppad:
0x0: {  	(pc) =	sbr.rel $0x88, $3  }
0x1: {  	(tag) =	ssettag $0x0;
	lr =	simm.s32 $0x1  }
0x2: {  	[smem:$0x3F96] =	sst lr;
	_ =	strace $0xD0000000  }
0x3: {  	_ = 	snop  }
0x4: {  	_ = 	snop  }
0x5: {  	_ = 	snop  }
0x6: {  	_ = 	snop  }
0x7: {  	_ = 	snop  }
__scs_overlays_trampoline_lowered:
0x8: {  	[smem:$0x3FA5] =	sst s0  }
0x9: {  	[smem:$0x3FA6] =	sst s1  }
0xa: {  	[smem:$0x3FA7] =	sst s2  }
0xb: {  	[smem:$0x3FA8] =	sst s3  }
0xc: {  	[smem:$0x3FA9] =	sst s4  }
0xd: {  	[smem:$0x3FAA] =	sst s5  }
0xe: {  	[smem:$0x3FAB] =	sst s6  }
0xf: {  	[smem:$0x3FAC] =	sst s7  }
0x10: {  	[smem:$0x3FAD] =	sst s8  }
0x11: {  	[smem:$0x3FAE] =	sst s9;
	s0 =	simm.s32 @!p0 $0x0  }
0x12: {  	s1 =	sld [smem:$0x3F94];
	s0 =	simm.s32 @p0 $0x1  }
0x13: {  	[smem:$0x3FAF] =	sst s0;
	s0 =	simm.s32 @!p1 $0x0  }
0x14: {  	s2 =	sld [smem:$0x3F93];
	s0 =	simm.s32 @p1 $0x1  }
0x15: {  	[smem:$0x3FB0] =	sst s0;
	s0 =	simm.s32 @!p2 $0x0  }
0x16: {  	s3 =	sld [smem:$0x3FDB];
	s0 =	simm.s32 @p2 $0x1  }
0x17: {  	s4 =	simm.s32 $0x1BF5;
	[smem:$0x3FB2] =	sst s0  }
0x18: {  	s0 =	sld [smem:$0x3F95];
	_ =	swait.ge [sflag:s4], $0x0  }
0x19: {  	s7 =	sld [smem:$0x3F96]  }
0x1a: {  	s8 =	sadd.s32 $0xFFFFE003, lr  }
0x1b: {  	s9 =	sadd.s32 $0xFFFFFEF7, lr;
	s5 =	simm.s32 $0xFFFFFFFF;
	p2 =	slt.u32 s8, $0xFFFFF086  }
0x1c: {  	p1 =	slt.u32 s9, $0xF7A;
	s5 =	simm.s32 @!p2 $0x0  }
0x1d: {  	s5 =	simm.s32 @p1 $0x1;
	p0 =	seq.s32 s7, s2  }
0x1e: {  	s7 =	smul.u32 @!p0 $0xF7A, s2;
	p2 =	seq.s32 @!p0 s5, $0x0  }
0x1f: {  	s9 =	smul.u32 $0xF7A, s1;
	s8 =	simm.s32 @!p0 $0x1BF5;
	p2 =	por !p2, p0  }
0x20: {  	[sflag:s8] =	ssyncset.s32 @!p0 $0xFFFFF086;
	s6 =	sadd.s32 @!p0 s3, s7;
	s7 =	simm.s32 @!p0 $0x108  }
0x21: {  	s3 =	sadd.s32 s3, s9;
	s6 =	sadd.s32 @!p0 $0x88, s6;
	s7 =	simm.s32 @p2 $0x1082  }
0x22: {  	[simem:s7], [sflag:s8] =	dma.local @!p0 [hbm:s6], $0xF7A  }
0x23: {  	s9 =	sor.u32 $0xD0000000, s2;
	s6 =	simm.s32 $0x108;
	_ =	swait.ge @!p0 [sflag:s8], $0x0  }
0x24: {  	s3 =	sadd.s32 $0x88, s3;
	s6 =	simm.s32 @!p1 $0x1082;
	[sflag:s4] =	ssyncset.s32 $0xFFFFF086  }
0x25: {  	[simem:s6], [sflag:s4] =	dma.local [hbm:s3], $0xF7A  }
0x26: {  	[smem:$0x3F96] =	sst s1;
	(tag) =	ssettag s2;
	_ =	strace s9  }
0x27: {  	s1 =	sld [smem:$0x3FA6]  }
0x28: {  	s2 =	sld [smem:$0x3FA7]  }
0x29: {  	s4 =	sld [smem:$0x3FA9]  }
0x2a: {  	p0 =	seq.s32 s5, $0x0;
	s5 =	sld [smem:$0x3FAA]  }
0x2b: {  	s6 =	sld [smem:$0x3FAB]  }
0x2c: {  	s7 =	sld [smem:$0x3FAC]  }
0x2d: {  	s3 =	simm.s32 $0x108;
	s8 =	sld [smem:$0x3FAD]  }
0x2e: {  	s3 =	simm.s32 @!p0 $0x1082;
	s9 =	sld [smem:$0x3FAE]  }
0x2f: {  	lr =	sadd.s32 s0, s3;
	s0 =	sld [smem:$0x3FA5]  }
0x30: {  	s3 =	sld [smem:$0x3FA8]  }
0x31: {  	[smem:$0x3FB1] =	sst s10  }
0x32: {  	s10 =	sld [smem:$0x3FAF];
	_ =	sdelay $0x3  }
0x33: {  	p0 =	seq.s32 s10, $0x1;
	s10 =	sld [smem:$0x3FB1];
	_ =	sdelay $0x3  }
0x34: {  	[smem:$0x3FB1] =	sst s10  }
0x35: {  	s10 =	sld [smem:$0x3FB0];
	_ =	sdelay $0x3  }
0x36: {  	p1 =	seq.s32 s10, $0x1;
	s10 =	sld [smem:$0x3FB1];
	_ =	sdelay $0x3  }
0x37: {  	[smem:$0x3FB1] =	sst s10  }
0x38: {  	s10 =	sld [smem:$0x3FB2]  }
0x39: {  	_ = 	snop;
	(pc) =	sbr.ind lr, $3  }
0x3a: {  	_ = 	snop  }
0x3b: {  	_ = 	snop  }
0x3c: {  	p2 =	seq.s32 s10, $0x1;
	s10 =	sld [smem:$0x3FB1]  }
0x3d: {  	_ =	shalt  }
0x3e: {  	_ =	shalt  }
0x3f: {  	_ =	shalt  }
0x40: {  	_ =	shalt  }
0x41: {  	_ =	shalt  }
0x42: {  	_ =	shalt  }
0x43: {  	_ =	shalt  }
0x44: {  	_ =	shalt  }
0x45: {  	_ =	shalt  }
0x46: {  	_ =	shalt  }
0x47: {  	_ =	shalt  }
0x48: {  	_ =	shalt  }
0x49: {  	_ =	shalt  }
0x4a: {  	_ =	shalt  }
0x4b: {  	_ =	shalt  }
0x4c: {  	_ =	shalt  }
0x4d: {  	_ =	shalt  }
0x4e: {  	_ =	shalt  }
0x4f: {  	_ =	shalt  }
0x50: {  	_ =	shalt  }
0x51: {  	_ =	shalt  }
0x52: {  	_ =	shalt  }
0x53: {  	_ =	shalt  }
0x54: {  	_ =	shalt  }
0x55: {  	_ =	shalt  }
0x56: {  	_ =	shalt  }
0x57: {  	_ =	shalt  }
0x58: {  	_ =	shalt  }
0x59: {  	_ =	shalt  }
0x5a: {  	_ =	shalt  }
0x5b: {  	_ =	shalt  }
0x5c: {  	_ =	shalt  }
0x5d: {  	_ =	shalt  }
0x5e: {  	_ =	shalt  }
0x5f: {  	_ =	shalt  }
0x60: {  	_ =	shalt  }
0x61: {  	_ =	shalt  }
0x62: {  	_ =	shalt  }
0x63: {  	_ =	shalt  }
0x64: {  	_ =	shalt  }
0x65: {  	_ =	shalt  }
0x66: {  	_ =	shalt  }
0x67: {  	_ =	shalt  }
0x68: {  	_ =	shalt  }
0x69: {  	_ =	shalt  }
0x6a: {  	_ =	shalt  }
0x6b: {  	_ =	shalt  }
0x6c: {  	_ =	shalt  }
0x6d: {  	_ =	shalt  }
0x6e: {  	_ =	shalt  }
0x6f: {  	_ =	shalt  }
0x70: {  	_ =	shalt  }
0x71: {  	_ =	shalt  }
0x72: {  	_ =	shalt  }
0x73: {  	_ =	shalt  }
0x74: {  	_ =	shalt  }
0x75: {  	_ =	shalt  }
0x76: {  	_ =	shalt  }
0x77: {  	_ =	shalt  }
0x78: {  	_ =	shalt  }
0x79: {  	_ =	shalt  }
0x7a: {  	_ =	shalt  }
0x7b: {  	_ =	shalt  }
0x7c: {  	_ =	shalt  }
0x7d: {  	_ =	shalt  }
0x7e: {  	_ =	shalt  }
0x7f: {  	_ =	shalt  }
0x80: {  	_ =	shalt  }
0x81: {  	_ =	shalt  }
0x82: {  	_ =	shalt  }
0x83: {  	_ =	shalt  }
0x84: {  	_ =	shalt  }
0x85: {  	_ =	shalt  }
0x86: {  	_ =	shalt  }
0x87: {  	_ =	shalt  }
.Lfunc_end0:
.L_simem_size_0:
called_computation_lowered:
.L_overlay_start_0:
0x88: {  	s2 =	sld [smem:$0x3FD9]  }
0x89: {  	s3 =	sld [smem:$0x3FFE];
	_ =	sdelay $0x1  }
0x8a: {  	s1 =	srdreg.scid  }
0x8b: {  	s0 =	sand.u32 $0x1, s1  }
0x8c: {  	s16 =	sshll.u32 s0, $0xA;
	s2 =	sadd.s32 s3, s2  }
0x8d: {  	s2 =	sadd.s32 s2, s16  }
0x8e: {  	[smem:$0x3FBD] =	sst s2  }
0x8f: {  	_ = 	snop  }
0x90: {  	(tm) =	ssettm $0x1  }
0x91: {  	s17 =	sld [smem:$0x3FFB];
	_ =	sdelay $0x3  }
0x92: {  	_ =	strace s17  }
0x93: {  	s2 =	sld [smem:$0x3FFC];
	_ =	sdelay $0x3  }
0x94: {  	_ =	strace s2  }
0x95: {  	s2 =	sld [smem:$0x3FFD];
	_ =	sdelay $0x3  }
0x96: {  	_ =	strace s2  }
0x97: {  	_ =	strace $0x8FFFFFFF  }
0x98: {  	s18 =	sld [smem:$0x3FDB];
	_ =	sdelay $0x1  }
0x99: {  	s19 =	simm.s32 $_scs_section_size  }
0x9a: {  	s4 =	simm.s32 $_size__tile_overlayer_lowered;
	s5 =	simm.s32 $_tile_overlayer_lowered  }
0x9b: {  	s22 =	simm.s32 $0x1BFF;
	s21 =	sshll.u32 s5, $0x1;
	s2 =	sadd.s32 s19, s18  }
0x9c: {  	s6 =	simm.s32 $0x0;
	s20 =	sshll.u32 s4, $0x1;
	s4 =	sadd.s32 s21, s2  }
0x9d: {  	[timem:s6], [sflag:s22] =	dma.local [hbm:s4], s20  }
0x9e: {  	_ =	swait.ge [sflag:s22], s20  }
0x9f: {  	s3 =	ssub.s32 $0x0, s20;
	[sflag:s22] =	ssyncset.done $0x0  }
0xa0: {  	[sflag:s22] =	ssyncadd.s32 s3;
	_ =	sdelay $0x1  }
0xa1: {  	s23 =	simm.s32 $0x1B8B  }
0xa2: {  	_ =	swait.ge [sflag:s23], $0x1  }
0xa3: {  	[sflag:s23] =	ssyncset.done $0x0  }
0xa4: {  	s25 =	simm.s32 $0x1B8E;
	s24 =	sld [smem:$0x3FFE];
	[sflag:s23] =	ssyncadd.s32 $0xFFFFFFFF  }
0xa5: {  	s26 =	simm.s32 $execute0_lowered;
	[smem:$0x3FD2] =	sst s25  }
0xa6: {  	s4 =	sshll.u32 s26, $0x1;
	_ =	strace $0x80000046;
	[dreg:$0x1] =	wrdreg $0xFFFFFFFF  }
0xa7: {  	s28 =	simm.s32 $_size_execute0_lowered;
	s2 =	sadd.s32 s2, s4;
	[dreg:$0x0] =	wrdreg $0x0  }
0xa8: {  	s4 =	sshll.u32 s28, $0x1;
	[dreg:$0x2] =	wrdreg s2  }
0xa9: {  	[dreg:$0x3] =	wrdreg s4  }
0xaa: {  	[dreg:$0x4] =	wrdreg $0xC0  }
0xab: {  	_ =	task [dreg:s6], $0x5FFFF  }
0xac: {  	[dreg:$0x1] =	wrdreg $0xFFFFFFFF  }
0xad: {  	[dreg:$0x0] =	wrdreg $0x60  }
0xae: {  	[dreg:$0x2] =	wrdreg s24  }
0xaf: {  	[dreg:$0x3] =	wrdreg $0x9  }
0xb0: {  	_ =	task.clear_ibuf [dreg:s6], $0x4FFFF;
	_ =	strace $0x90000046  }
0xb1: {  	s29 =	simm.s32 $0x9;
	_ =	strace $0x80000048  }
0xb2: {  	_ =	swait.ge [sflag:s29], $0x1  }
0xb3: {  	[sflag:s29] =	ssyncadd.s32 $0xFFFFFFFF  }
0xb4: {  	_ =	strace $0x90000048  }
0xb5: {  	_ =	sfence  }
0xb6: {  	s30 =	sld [smem:$0x0];
	_ =	sdelay $0x2  }
0xb7: {  	s31 =	sshll.u32 s1, $0xD;
	s1 =	sshrl.u32 s1, $0x2  }
0xb8: {  	s3 =	sand.u32 $0x4000, s31;
	s1 =	sadd.s32 s1, s30  }
0xb9: {  	s0 =	sor.u32 s3, s0;
	s1 =	sshll.u32 s1, $0x11  }
0xba: {  	s0 =	sor.u32 s1, s0  }
0xbb: {  	s0 =	sadd.s32 $0x8F2B, s0  }
0xbc: {  	[sflag:s0] =	ssyncadd.remote.s32 $0x1  }
0xbd: {  	_ =	sfence.sel $0xFFFF  }
0xbe: {  	[dreg:$0x0] =	wrdreg $0xFFFFFFFF;
	(pc) =	sbr.abs _section_cstart, $3  }
0xbf: {  	[dreg:$0x1] =	wrdreg $0xFFFFFFFF  }
0xc0: {  	_ =	task.clear_ibuf [dreg:s6], $0x2FFFF;
	_ =	strace $0x9FFFFFFF  }
0xc1: {  	(tm) =	ssettm $0x7FFFFFFF  }
tec
execute0_lowered:
.L_overlay_start_1:
0x0: {  	(tag) =	ssettag $0x1  }
0x1: {  	s1 =	srdreg.scid;
	s0 =	stileid.u32  }
0x2: {  	s17 =	sand.u32 $0x1, s1;
	s29 =	sshll.u32 s0, $0x1  }
0x3: {  	s1 =	sor.u32 s17, s29  }
0x4: {  	s3 =	smul.u32 $0x1C000, s1  }
0x5: {  	s12 =	rddreg [dreg:$0x0];
	s2 =	simm.s32 $0x0;
	s4 =	simm.s32 $0x3  }
0x6: {  	[smem:$0x7FF] =	sst s2;
	s14 =	sadd.s32 $0x201800, s12;
	s15 =	sshrl.u32 s3, $0x3  }
0x7: {  	s1 =	rddreg [dreg:$0x1];
	_ =	strace $0x80000047;
	s3 =	sadd.s32 s14, s15  }
0x8: {  	[tilespmem:s2], [sflag:$0x3] =	stream.linear.gather [hbm4b:s3+s2], $0x7000, $0x38;
	[tilespmem:$0x1C000] =	vst v63  }
0x9: {  	_ =	swait.ge [sflag:s4], $0x7000  }
0xa: {  	s6 =	simm.s32 $0x7000;
	s7 =	simm.s32 $0xE000;
	[sflag:s4] =	ssyncset.done $0x0  }
0xb: {  	s5 =	sadd.s32 $0x271800, s12;
	s16 =	sadd.s32 $0xE00, s15;
	[sflag:s4] =	ssyncadd.s32 $0xFFFF9000  }
0xc: {  	[tilespmem:s7], [sflag:$0x1] =	stream.indirect.gather [hbm4b:s5+s6], $0x1, s2, s6, $0xb8;
	[tilespmem:$0x1C000] =	vst v63  }
0xd: {  	s8 =	sadd.s32 s14, s16  }
0xe: {  	[tilespmem:s6], [sflag:$0x3] =	stream.linear.gather [hbm4b:s8+s2], $0x7000, $0x38;
	[tilespmem:$0x1C000] =	vst v63  }
0xf: {  	_ =	swait.ge [sflag:s4], $0x7000  }
0x10: {  	[sflag:s4] =	ssyncset.done $0x0  }
0x11: {  	s9 =	simm.s32 $0x1;
	[sflag:s4] =	ssyncadd.s32 $0xFFFF9000  }
0x12: {  	_ =	swait.ge [sflag:s9], $0x7000  }
0x13: {  	[sflag:s9] =	ssyncset.done $0x0  }
0x14: {  	s10 =	simm.s32 $0x15000;
	s18 =	sadd.s32 $0x1C00, s15;
	[sflag:s9] =	ssyncadd.s32 $0xFFFF9000  }
0x15: {  	[tilespmem:s10], [sflag:$0x1] =	stream.indirect.gather [hbm4b:s5+s6], $0x1, s6, s6, $0xb8;
	[tilespmem:$0x1C000] =	vst v63  }
0x16: {  	s11 =	sadd.s32 s14, s18  }
0x17: {  	[tilespmem:s2], [sflag:$0x3] =	stream.linear.gather [hbm4b:s11+s2], $0x7000, $0x38;
	[tilespmem:$0x1C000] =	vst v63  }
0x18: {  	_ =	swait.ge [sflag:s4], $0x7000  }
0x19: {  	s19 =	sadd.s32 $0x1800, s12;
	[sflag:s4] =	ssyncset.done $0x0  }
0x1a: {  	s12 =	sadd.s32 s19, s15;
	[sflag:s4] =	ssyncadd.s32 $0xFFFF9000  }
0x1b: {  	[hbm4b:s12+s2] =	stream.linear.scatter [tilespmem:s7], [sflag:$0x2], $0x7000, $0x38;
	[tilespmem:$0x1C000] =	vst v63  }
0x1c: {  	_ =	swait.ge [sflag:s9], $0x7000  }
0x1d: {  	[sflag:s9] =	ssyncset.done $0x0  }
0x1e: {  	s13 =	simm.s32 $0x2;
	[sflag:s9] =	ssyncadd.s32 $0xFFFF9000  }
0x1f: {  	_ =	swait.ge [sflag:s13], $0x7000  }
0x20: {  	[sflag:s13] =	ssyncset.done $0x0  }
0x21: {  	s20 =	sadd.s32 $0x2A00, s15;
	[sflag:s13] =	ssyncadd.s32 $0xFFFF9000  }
0x22: {  	[tilespmem:s7], [sflag:$0x1] =	stream.indirect.gather [hbm4b:s5+s6], $0x1, s2, s6, $0xb8;
	[tilespmem:$0x1C000] =	vst v63  }
0x23: {  	s14 =	sadd.s32 s14, s20  }
0x24: {  	[tilespmem:s6], [sflag:$0x3] =	stream.linear.gather [hbm4b:s14+s2], $0x7000, $0x38;
	[tilespmem:$0x1C000] =	vst v63  }
0x25: {  	_ =	swait.ge [sflag:s4], $0x7000  }
0x26: {  	[sflag:s4] =	ssyncset.done $0x0  }
0x27: {  	s15 =	sadd.s32 s19, s16;
	[sflag:s4] =	ssyncadd.s32 $0xFFFF9000  }
0x28: {  	[hbm4b:s15+s2] =	stream.linear.scatter [tilespmem:s10], [sflag:$0x2], $0x7000, $0x38;
	[tilespmem:$0x1C000] =	vst v63  }
0x29: {  	_ =	swait.ge [sflag:s9], $0x7000  }
0x2a: {  	[sflag:s9] =	ssyncset.done $0x0  }
0x2b: {  	[sflag:s9] =	ssyncadd.s32 $0xFFFF9000  }
0x2c: {  	_ =	swait.ge [sflag:s13], $0x7000  }
0x2d: {  	[sflag:s13] =	ssyncset.done $0x0  }
0x2e: {  	s30 =	ssub.s32 $0x2, s17;
	[sflag:s13] =	ssyncadd.s32 $0xFFFF9000  }
0x2f: {  	[tilespmem:s10], [sflag:$0x1] =	stream.indirect.gather [hbm4b:s5+s6], $0x1, s6, s6, $0xb8;
	[tilespmem:$0x1C000] =	vst v63  }
0x30: {  	s31 =	sshrl.u32 s30, $0x1;
	s16 =	sadd.s32 s19, s18  }
0x31: {  	[hbm4b:s16+s2] =	stream.linear.scatter [tilespmem:s7], [sflag:$0x2], $0x7000, $0x38;
	[tilespmem:$0x1C000] =	vst v63  }
0x32: {  	s18 =	ssub.s32 s30, s31;
	_ =	swait.ge [sflag:s9], $0x7000  }
0x33: {  	s18 =	smax.u32 s18, $0x1;
	[sflag:s9] =	ssyncset.done $0x0  }
0x34: {  	s17 =	sadd.s32 s19, s20;
	p0 =	sne.s32 s18, $0x1;
	[sflag:s9] =	ssyncadd.s32 $0xFFFF9000  }
0x35: {  	[hbm4b:s17+s2] =	stream.linear.scatter [tilespmem:s10], [sflag:$0x2], $0x7000, $0x38;
	[tilespmem:$0x1C000] =	vst v63  }
.Ltmp0:
0x36: {  	_ =	swait.ge [sflag:s13], $0x7000;
	(pc) =	sbr.rel @!p0 .LBB2_2-.Ltmp0, $4  }
0x37: {  	[sflag:s13] =	ssyncset.done $0x0  }
0x38: {  	[sflag:s13] =	ssyncadd.s32 $0xFFFF9000  }
0x39: {  	_ =	swait.ge [sflag:s13], $0x7000  }
0x3a: {  	s18 =	sadd.s32 $0xFFFFFFFF, s18;
	[sflag:s13] =	ssyncset.done $0x0  }
.LBB2_1:
0x3b: {  	p0 =	sne.s32 s18, $0x1;
	s18 =	sadd.s32 $0xFFFFFFFF, s18;
	[sflag:s13] =	ssyncadd.s32 $0xFFFF9000  }
0x3c: {  	[tilespmem:s2], [sflag:$0x3] =	stream.linear.gather [hbm4b:s3+s2], $0x7000, $0x38;
	[tilespmem:$0x1C000] =	vst v63  }
0x3d: {  	_ =	swait.ge [sflag:s4], $0x7000  }
0x3e: {  	[sflag:s4] =	ssyncset.done $0x0  }
0x3f: {  	[sflag:s4] =	ssyncadd.s32 $0xFFFF9000  }
0x40: {  	[tilespmem:s7], [sflag:$0x1] =	stream.indirect.gather [hbm4b:s5+s6], $0x1, s2, s6, $0xb8;
	[tilespmem:$0x1C000] =	vst v63  }
0x41: {  	_ = 	snop  }
0x42: {  	[tilespmem:s6], [sflag:$0x3] =	stream.linear.gather [hbm4b:s8+s2], $0x7000, $0x38;
	[tilespmem:$0x1C000] =	vst v63  }
0x43: {  	_ =	swait.ge [sflag:s4], $0x7000  }
0x44: {  	[sflag:s4] =	ssyncset.done $0x0  }
0x45: {  	[sflag:s4] =	ssyncadd.s32 $0xFFFF9000  }
0x46: {  	_ =	swait.ge [sflag:s9], $0x7000  }
0x47: {  	[sflag:s9] =	ssyncset.done $0x0  }
0x48: {  	[sflag:s9] =	ssyncadd.s32 $0xFFFF9000  }
0x49: {  	[tilespmem:s10], [sflag:$0x1] =	stream.indirect.gather [hbm4b:s5+s6], $0x1, s6, s6, $0xb8;
	[tilespmem:$0x1C000] =	vst v63  }
0x4a: {  	_ = 	snop  }
0x4b: {  	[tilespmem:s2], [sflag:$0x3] =	stream.linear.gather [hbm4b:s11+s2], $0x7000, $0x38;
	[tilespmem:$0x1C000] =	vst v63  }
0x4c: {  	_ =	swait.ge [sflag:s4], $0x7000  }
0x4d: {  	[sflag:s4] =	ssyncset.done $0x0  }
0x4e: {  	[sflag:s4] =	ssyncadd.s32 $0xFFFF9000  }
0x4f: {  	[hbm4b:s12+s2] =	stream.linear.scatter [tilespmem:s7], [sflag:$0x2], $0x7000, $0x38;
	[tilespmem:$0x1C000] =	vst v63  }
0x50: {  	_ =	swait.ge [sflag:s9], $0x7000  }
0x51: {  	[sflag:s9] =	ssyncset.done $0x0  }
0x52: {  	[sflag:s9] =	ssyncadd.s32 $0xFFFF9000  }
0x53: {  	_ =	swait.ge [sflag:s13], $0x7000  }
0x54: {  	[sflag:s13] =	ssyncset.done $0x0  }
0x55: {  	[sflag:s13] =	ssyncadd.s32 $0xFFFF9000  }
0x56: {  	[tilespmem:s7], [sflag:$0x1] =	stream.indirect.gather [hbm4b:s5+s6], $0x1, s2, s6, $0xb8;
	[tilespmem:$0x1C000] =	vst v63  }
0x57: {  	_ = 	snop  }
0x58: {  	[tilespmem:s6], [sflag:$0x3] =	stream.linear.gather [hbm4b:s14+s2], $0x7000, $0x38;
	[tilespmem:$0x1C000] =	vst v63  }
0x59: {  	_ =	swait.ge [sflag:s4], $0x7000  }
0x5a: {  	[sflag:s4] =	ssyncset.done $0x0  }
0x5b: {  	[sflag:s4] =	ssyncadd.s32 $0xFFFF9000  }
0x5c: {  	[hbm4b:s15+s2] =	stream.linear.scatter [tilespmem:s10], [sflag:$0x2], $0x7000, $0x38;
	[tilespmem:$0x1C000] =	vst v63  }
0x5d: {  	_ =	swait.ge [sflag:s9], $0x7000  }
0x5e: {  	[sflag:s9] =	ssyncset.done $0x0  }
0x5f: {  	[sflag:s9] =	ssyncadd.s32 $0xFFFF9000  }
0x60: {  	_ =	swait.ge [sflag:s13], $0x7000  }
0x61: {  	[sflag:s13] =	ssyncset.done $0x0  }
0x62: {  	[sflag:s13] =	ssyncadd.s32 $0xFFFF9000  }
0x63: {  	[tilespmem:s10], [sflag:$0x1] =	stream.indirect.gather [hbm4b:s5+s6], $0x1, s6, s6, $0xb8;
	[tilespmem:$0x1C000] =	vst v63  }
0x64: {  	_ = 	snop  }
0x65: {  	[hbm4b:s16+s2] =	stream.linear.scatter [tilespmem:s7], [sflag:$0x2], $0x7000, $0x38;
	[tilespmem:$0x1C000] =	vst v63  }
0x66: {  	_ =	swait.ge [sflag:s9], $0x7000  }
0x67: {  	[sflag:s9] =	ssyncset.done $0x0  }
0x68: {  	[sflag:s9] =	ssyncadd.s32 $0xFFFF9000  }
0x69: {  	[hbm4b:s17+s2] =	stream.linear.scatter [tilespmem:s10], [sflag:$0x2], $0x7000, $0x38;
	[tilespmem:$0x1C000] =	vst v63  }
.Ltmp1:
0x6a: {  	_ =	swait.ge [sflag:s13], $0x7000;
	(pc) =	sbr.rel @p0 .LBB2_1-.Ltmp1, $4  }
0x6b: {  	[sflag:s13] =	ssyncset.done $0x0  }
0x6c: {  	[sflag:s13] =	ssyncadd.s32 $0xFFFF9000  }
0x6d: {  	_ =	swait.ge [sflag:s13], $0x7000  }
0x6e: {  	[sflag:s13] =	ssyncset.done $0x0  }
.LBB2_2:
0x6f: {  	[sflag:s13] =	ssyncadd.s32 $0xFFFF9000  }
0x70: {  	_ =	sfence.sel $0x180000  }
0x71: {  	[bflag:$0x0] =	sbarrier.arrive $0xFFFF  }
0x72: {  	p0 =	sne.s32 s0, $0x0;
	_ =	strace $0x90000047  }
0x73: {  	s0 =	sadd.s32 @!p0 $0x100000, s1;
	[bflag:$0x2] =	sbarrier.arrive $0xFFFF  }
0x74: {  	[sflag:s0] =	ssyncadd.tile.s32 @!p0 $0x1;
	_ =	shalt  }
.Lfunc_end2:
_tile_overlayer_lowered:
.L_overlay_start_2:
0x75: {  	(tag) =	ssettag $0x2  }
0x76: {  	s0 =	rddreg [dreg:$0x0];
	s2 =	stileid.u32  }
0x77: {  	s1 =	rddreg [dreg:$0x1];
	p0 =	sne.s32 s2, $0x0  }
0x78: {  	s3 =	rddreg [dreg:$0x2];
	[bflag:$0x3] =	sbarrier.arrive $0xFFFF;
	s2 =	simm.s32 @!p0 $0x1C03  }
0x79: {  	[timem:s3], [sflag:s2] =	dma.local @!p0 [hbm:s0], s1  }
0x7a: {  	s0 =	simm.s32 @!p0 $0x3  }
0x7b: {  	_ =	swait.ge @!p0 [sflag:s0], s1  }
0x7c: {  	s1 =	ssub.s32 @!p0 $0x0, s1;
	[sflag:s0] =	ssyncset.done @!p0 $0x0  }
0x7d: {  	[sflag:s0] =	ssyncadd.s32 @!p0 s1  }
0x7e: {  	[bflag:$0x3] =	sbarrier.arrive $0xFFFF  }
0x7f: {  	_ =	shalt  }

</sc_bundles>
